<compile_context>
chip_gen: v7x
topology: tpu7x:2x2x1
jax: 0.10.2.dev20260603
libtpu: 0.0.44.dev20260713+nightly
codegen_flags: <defaults>
</compile_context>

<pallas_src>
import jax
import jax.numpy as jnp
from jax import lax
from jax.experimental import pallas as pl
from jax.experimental.pallas import tpu as pltpu
from jax.experimental.pallas import tpu_sc as plsc

B, D, K, C = 2048, 64, 512, 100
GAMMA = 0.99
EPS = 1e-05

NS = 16
L = 16
BPW = B // NS
CP = 128
HP = K * CP
HSL = HP // NS
DP = 128


def _tc1_body(x_ref, w_ref, am_ref, wtp_ref):
    x = x_ref[...]
    w = w_ref[...]

    xw = lax.dot_general(x, w, (((1,), (0,)), ((), ())),
                         precision=lax.Precision.HIGHEST)
    x2 = jnp.sum(x * x, axis=1, keepdims=True)
    w2 = jnp.sum(w * w, axis=0, keepdims=True)
    d2 = jnp.maximum(x2 - 2.0 * xw + w2, 0.0)
    dist = jnp.sqrt(d2)
    am = jnp.argmin(dist, axis=1)
    am_ref[...] = am

    wtp_ref[:, :D] = lax.transpose(w, (1, 0))


def _tc2_body(x_ref, am_ref, cs_ref, ea_ref,
              wn_ref, csn_ref, ean_ref):
    x = x_ref[...]
    am_col = am_ref[...][:, None]
    onehot = (am_col == lax.broadcasted_iota(jnp.int32, (1, K), 1)
              ).astype(jnp.float32)

    n_idx = jnp.sum(onehot, axis=0, keepdims=True)
    n_idx = jnp.where(n_idx == 0.0, 1.0, n_idx)
    cs_new = cs_ref[...][None, :] * GAMMA + (1.0 - GAMMA) * n_idx
    csn_ref[...] = cs_new[0]

    embed_sum = lax.dot_general(
        x, onehot, (((0,), (0,)), ((), ())))
    ea_new = ea_ref[...] * GAMMA + (1.0 - GAMMA) * embed_sum
    ean_ref[...] = ea_new

    n = jnp.sum(cs_new)
    cs_smoothed = (cs_new + EPS) / (n + K * EPS) * n
    wn_ref[...] = ea_new / cs_smoothed


def _tc3_body(hist_ref, bh_ref, resp_ref, hn_ref, res_ref):
    bh = bh_ref[...].reshape(K, CP)
    hn_ref[...] = hist_ref[...] * GAMMA + (1.0 - GAMMA) * bh[:, :C]
    res_ref[...] = resp_ref[:, :D]


def _sc_body(am_hbm, keys_hbm, wt_hbm,
             resp_hbm, bh_hbm,
             idx_v, flat_v, ones_v, rows_v, a_v, acc_sh, sem):
    cid = lax.axis_index("c")
    sid = lax.axis_index("s")
    base = sid * BPW

    @pl.when(cid == 1)
    def _gather():
        pltpu.sync_copy(am_hbm.at[pl.ds(base, BPW)], idx_v)
        pltpu.async_copy(wt_hbm.at[idx_v], rows_v, sem).wait()
        pltpu.sync_copy(rows_v, resp_hbm.at[pl.ds(base, BPW)])

    @pl.when(cid == 0)
    def _hist():
        pltpu.sync_copy(am_hbm.at[pl.ds(base, BPW)], idx_v)
        pltpu.sync_copy(keys_hbm.at[pl.ds(base, BPW)], flat_v)
        for j in range(BPW // L):
            s = pl.ds(j * L, L)
            flat_v[s] = idx_v[s] * CP + flat_v[s]
            ones_v[s] = jnp.full((L,), 1.0, jnp.float32)

        def _zero(i, _):
            a_v[pl.ds(i * L, L)] = jnp.zeros((L,), jnp.float32)
            return 0
        lax.fori_loop(0, HSL // L, _zero, 0)
        esl = pl.ds(sid * HSL, HSL)
        pltpu.sync_copy(a_v, acc_sh.at[esl])
        plsc.subcore_barrier()
        pltpu.sync_copy(ones_v, acc_sh.at[flat_v], add=True)
        plsc.subcore_barrier()
        pltpu.sync_copy(acc_sh.at[esl], a_v)
        pltpu.sync_copy(a_v, bh_hbm.at[esl])


_sc_call = pl.kernel(
    _sc_body,
    out_type=(jax.ShapeDtypeStruct((B, DP), jnp.float32),
              jax.ShapeDtypeStruct((HP,), jnp.float32)),
    mesh=plsc.VectorSubcoreMesh(core_axis_name="c", subcore_axis_name="s"),
    scratch_types=[
        pltpu.VMEM((BPW,), jnp.int32),
        pltpu.VMEM((BPW,), jnp.int32),
        pltpu.VMEM((BPW,), jnp.float32),
        pltpu.VMEM((BPW, DP), jnp.float32),
        pltpu.VMEM((HSL,), jnp.float32),
        pltpu.VMEM_SHARED((HP,), jnp.float32),
        pltpu.SemaphoreType.DMA,
    ],
)


def kernel(batch_vectors, batch_keys_id, weight, cluster_size, embed_avg, hist):
    am, wt = pl.pallas_call(
        _tc1_body,
        out_shape=(
            jax.ShapeDtypeStruct((B,), jnp.int32),
            jax.ShapeDtypeStruct((K, DP), jnp.float32),
        ),
    )(batch_vectors, weight)

    result_pad, bh_flat = _sc_call(
        am,
        batch_keys_id.astype(jnp.int32),
        wt,
    )

    weight_new, cs_new, ea_new = pl.pallas_call(
        _tc2_body,
        out_shape=(
            jax.ShapeDtypeStruct((D, K), jnp.float32),
            jax.ShapeDtypeStruct((K,), jnp.float32),
            jax.ShapeDtypeStruct((D, K), jnp.float32),
        ),
    )(batch_vectors, am, cluster_size, embed_avg)

    hist_new, result = pl.pallas_call(
        _tc3_body,
        out_shape=(
            jax.ShapeDtypeStruct((K, C), jnp.float32),
            jax.ShapeDtypeStruct((B, D), jnp.float32),
        ),
    )(hist, bh_flat, result_pad)

    return (result, am, weight_new, cs_new, ea_new, hist_new)

# --- scband reference (transcript-rebuilt; emitter-appended) ---
"""Pipeline reference for scband-clustering-ema-v2-torch-73237782331476 (READ-ONLY COPY).

The authoritative reference and input builder live on the scoring server;
editing this copy changes nothing except your own understanding.
"""

import jax, jax.numpy as jnp
import numpy as np

B, D, K, C = 2048, 64, 512, 100
GAMMA = 0.99
EPS = 1e-05


def setup_inputs(seed: int = 0) -> dict:
    key = jax.random.key(seed)
    k1, k2, k3, k4 = jax.random.split(key, 4)
    return {
        "batch_vectors": jax.random.normal(k1, (B, D), dtype=jnp.float32),
        "batch_keys_id": jax.random.randint(k2, (B,), 0, C, dtype=jnp.int64) if jax.config.jax_enable_x64 else jax.random.randint(k2, (B,), 0, C, dtype=jnp.int32),
        "weight": jax.random.normal(k3, (D, K), dtype=jnp.float32),
        "cluster_size": jnp.ones((K,), dtype=jnp.float32),
        "embed_avg": jax.random.normal(k4, (D, K), dtype=jnp.float32),
        "hist": jnp.zeros((K, C), dtype=jnp.float32),
    }


def reference(batch_vectors, batch_keys_id, weight, cluster_size, embed_avg, hist):
    # find_nearest_centroids: dist[b,k] = ||x_b - w_:,k||_2 via broadcast, as in torch
    x_expanded = batch_vectors[:, :, None]                     # (B, D, 1)
    emb_expanded = weight[None, :, :]                          # (1, D, K)
    dist = jnp.sqrt(((x_expanded - emb_expanded) ** 2).sum(1)) # (B, K)
    argmin = jnp.argmin(dist, axis=-1)                         # (B,)
    result = jnp.take(weight.T, argmin, axis=0)                # (B, D) quantized vectors

    # minibatch EMA update
    latent_indices = jnp.arange(K)
    emb_onehot = (argmin[:, None] == latent_indices[None, :]).astype(batch_vectors.dtype)  # (B, K)
    n_idx_choice = emb_onehot.sum(0)
    n_idx_choice = jnp.where(n_idx_choice == 0, 1.0, n_idx_choice)
    cluster_size_new = cluster_size * GAMMA + (1.0 - GAMMA) * n_idx_choice

    flatten = batch_vectors.T                                  # (D, B)
    embed_sum = flatten @ emb_onehot                           # (D, K)
    embed_avg_new = embed_avg * GAMMA + (1.0 - GAMMA) * embed_sum

    n = cluster_size_new.sum()
    cluster_size_smoothed = (cluster_size_new + EPS) / (n + K * EPS) * n
    weight_new = embed_avg_new / cluster_size_smoothed[None, :]

    # update_hist: batch_hist[q, c] = #{b : argmin[b]==q and key[b]==c} via scatter-add
    batch_hist = jnp.zeros((K, C), dtype=hist.dtype).at[argmin, batch_keys_id].add(1.0)
    hist_new = hist * GAMMA + (1.0 - GAMMA) * batch_hist

    return (result, argmin, weight_new, cluster_size_new, embed_avg_new, hist_new)

if __name__ == "__main__":
    import jax
    _d = setup_inputs()
    print(jax.jit(kernel)(*tuple(_d.values())))

</pallas_src>

<mosaic_0001>
#map = affine_map<(d0, d1) -> (0)>
#map1 = affine_map<(d0, d1) -> (0, 0)>
module attributes {stable_mosaic.version = 14 : i64} {
  func.func @_sc_body(%arg0: i32, %arg1: i32, %arg2: memref<2048xi32, #tpu.memory_space<hbm>>, %arg3: memref<2048xi32, #tpu.memory_space<hbm>>, %arg4: memref<512x128xf32, #tpu.memory_space<hbm>>, %arg5: memref<2048x128xf32, #tpu.memory_space<hbm>>, %arg6: memref<65536xf32, #tpu.memory_space<hbm>>, %arg7: memref<128xi32, #tpu.memory_space<vmem>>, %arg8: memref<128xi32, #tpu.memory_space<vmem>>, %arg9: memref<128xf32, #tpu.memory_space<vmem>>, %arg10: memref<128x128xf32, #tpu.memory_space<vmem>>, %arg11: memref<4096xf32, #tpu.memory_space<vmem>>, %arg12: memref<65536xf32, #tpu.memory_space<vmem_shared>>, %arg13: memref<!tpu.dma_semaphore, #tpu.memory_space<semaphore_mem>>) attributes {dimension_semantics = [#tpu.dimension_semantics<core_parallel>, #tpu.dimension_semantics<subcore_parallel>], iteration_bounds = array<i64: 2, 16>, scalar_prefetch = 0 : i64, scratch_operands = 7 : i64, tpu.core_type = #tpu.core_type<sc_vector_subcore>, window_params = [{transform_indices = #map}, {transform_indices = #map}, {transform_indices = #map1}, {transform_indices = #map1}, {transform_indices = #map}]} {
    %mul3A = arith.constant 128 : i32
    %mul3A_0 = arith.muli %arg1, %mul3A : i32
    %eq3A = arith.constant 1 : i32
    %eq3A_1 = arith.cmpi eq, %arg0, %eq3A : i32
    %convert_element_type3A = arith.extui %eq3A_1 : i1 to i32
    %cond3A = arith.constant 0 : i32
    %cond3A_2 = arith.cmpi ne, %convert_element_type3A, %cond3A : i32
    scf.if %cond3A_2 {
      "tpu.region"() ({
        %run_scoped3A = tpu.sem_alloc : memref<!tpu.dma_semaphore, #tpu.memory_space<semaphore_mem>>
        %dma_start3A_12 = tpu.memref_slice %arg2[%mul3A_0] : memref<2048xi32, #tpu.memory_space<hbm>> -> memref<128xi32, #tpu.memory_space<hbm>>
        %dma_start3A_13 = tpu.memref_slice %arg2[%mul3A_0] : memref<2048xi32, #tpu.memory_space<hbm>> -> memref<128xi32, #tpu.memory_space<hbm>>
        tpu.enqueue_dma source(%dma_start3A_13 : memref<128xi32, #tpu.memory_space<hbm>>) target(%arg7 : memref<128xi32, #tpu.memory_space<vmem>>) target_semaphore(%run_scoped3A : memref<!tpu.dma_semaphore, #tpu.memory_space<semaphore_mem>>)
        %dma_wait3A_14 = tpu.memref_slice %arg2[%mul3A_0] : memref<2048xi32, #tpu.memory_space<hbm>> -> memref<128xi32, #tpu.memory_space<hbm>>
        %dma_wait3A_15 = tpu.memref_slice %arg2[%mul3A_0] : memref<2048xi32, #tpu.memory_space<hbm>> -> memref<128xi32, #tpu.memory_space<hbm>>
        tpu.wait_dma2 semaphore(%run_scoped3A : memref<!tpu.dma_semaphore, #tpu.memory_space<semaphore_mem>>) src(%dma_wait3A_15 : memref<128xi32, #tpu.memory_space<hbm>>) dst(%arg7 : memref<128xi32, #tpu.memory_space<vmem>>)
        tpu.yield
      }) : () -> ()
      %dma_start3A = arith.constant 0 : i32
      %dma_start3A_8 = arith.constant 0 : i32
      %dma_start3A_9 = tpu.memref_slice %arg4[%dma_start3A, %dma_start3A_8] : memref<512x128xf32, #tpu.memory_space<hbm>> -> memref<512x128xf32, #tpu.memory_space<hbm>>
      tpu.enqueue_indirect_dma source(%dma_start3A_9 : memref<512x128xf32, #tpu.memory_space<hbm>>) target(%arg10 : memref<128x128xf32, #tpu.memory_space<vmem>>) offsets(%arg7 : memref<128xi32, #tpu.memory_space<vmem>>) semaphore(%arg13 : memref<!tpu.dma_semaphore, #tpu.memory_space<semaphore_mem>>)
      %dma_wait3A = arith.constant 0 : i32
      %dma_wait3A_10 = arith.constant 0 : i32
      %dma_wait3A_11 = tpu.memref_slice %arg4[%dma_wait3A, %dma_wait3A_10] : memref<512x128xf32, #tpu.memory_space<hbm>> -> memref<512x128xf32, #tpu.memory_space<hbm>>
      tpu.wait_indirect_dma semaphore(%arg13 : memref<!tpu.dma_semaphore, #tpu.memory_space<semaphore_mem>>) src(%dma_wait3A_11 : memref<512x128xf32, #tpu.memory_space<hbm>>) dst(%arg10 : memref<128x128xf32, #tpu.memory_space<vmem>>)
      "tpu.region"() ({
        %run_scoped3A = tpu.sem_alloc : memref<!tpu.dma_semaphore, #tpu.memory_space<semaphore_mem>>
        %dma_start3A_12 = arith.constant 0 : i32
        %dma_start3A_13 = tpu.memref_slice %arg5[%mul3A_0, %dma_start3A_12] : memref<2048x128xf32, #tpu.memory_space<hbm>> -> memref<128x128xf32, #tpu.memory_space<hbm>>
        %dma_start3A_14 = arith.constant 0 : i32
        %dma_start3A_15 = tpu.memref_slice %arg5[%mul3A_0, %dma_start3A_14] : memref<2048x128xf32, #tpu.memory_space<hbm>> -> memref<128x128xf32, #tpu.memory_space<hbm>>
        tpu.enqueue_dma source(%arg10 : memref<128x128xf32, #tpu.memory_space<vmem>>) target(%dma_start3A_15 : memref<128x128xf32, #tpu.memory_space<hbm>>) target_semaphore(%run_scoped3A : memref<!tpu.dma_semaphore, #tpu.memory_space<semaphore_mem>>)
        %dma_wait3A_16 = arith.constant 0 : i32
        %dma_wait3A_17 = tpu.memref_slice %arg5[%mul3A_0, %dma_wait3A_16] : memref<2048x128xf32, #tpu.memory_space<hbm>> -> memref<128x128xf32, #tpu.memory_space<hbm>>
        %dma_wait3A_18 = arith.constant 0 : i32
        %dma_wait3A_19 = tpu.memref_slice %arg5[%mul3A_0, %dma_wait3A_18] : memref<2048x128xf32, #tpu.memory_space<hbm>> -> memref<128x128xf32, #tpu.memory_space<hbm>>
        tpu.wait_dma2 semaphore(%run_scoped3A : memref<!tpu.dma_semaphore, #tpu.memory_space<semaphore_mem>>) src(%arg10 : memref<128x128xf32, #tpu.memory_space<vmem>>) dst(%dma_wait3A_19 : memref<128x128xf32, #tpu.memory_space<hbm>>)
        tpu.yield
      }) : () -> ()
    } else {
    }
    %eq3A_3 = arith.constant 0 : i32
    %eq3A_4 = arith.cmpi eq, %arg0, %eq3A_3 : i32
    %convert_element_type3A_5 = arith.extui %eq3A_4 : i1 to i32
    %cond3A_6 = arith.constant 0 : i32
    %cond3A_7 = arith.cmpi ne, %convert_element_type3A_5, %cond3A_6 : i32
    scf.if %cond3A_7 {
      "tpu.region"() ({
        %run_scoped3A = tpu.sem_alloc : memref<!tpu.dma_semaphore, #tpu.memory_space<semaphore_mem>>
        %dma_start3A = tpu.memref_slice %arg2[%mul3A_0] : memref<2048xi32, #tpu.memory_space<hbm>> -> memref<128xi32, #tpu.memory_space<hbm>>
        %dma_start3A_173 = tpu.memref_slice %arg2[%mul3A_0] : memref<2048xi32, #tpu.memory_space<hbm>> -> memref<128xi32, #tpu.memory_space<hbm>>
        tpu.enqueue_dma source(%dma_start3A_173 : memref<128xi32, #tpu.memory_space<hbm>>) target(%arg7 : memref<128xi32, #tpu.memory_space<vmem>>) target_semaphore(%run_scoped3A : memref<!tpu.dma_semaphore, #tpu.memory_space<semaphore_mem>>)
        %dma_wait3A = tpu.memref_slice %arg2[%mul3A_0] : memref<2048xi32, #tpu.memory_space<hbm>> -> memref<128xi32, #tpu.memory_space<hbm>>
        %dma_wait3A_174 = tpu.memref_slice %arg2[%mul3A_0] : memref<2048xi32, #tpu.memory_space<hbm>> -> memref<128xi32, #tpu.memory_space<hbm>>
        tpu.wait_dma2 semaphore(%run_scoped3A : memref<!tpu.dma_semaphore, #tpu.memory_space<semaphore_mem>>) src(%dma_wait3A_174 : memref<128xi32, #tpu.memory_space<hbm>>) dst(%arg7 : memref<128xi32, #tpu.memory_space<vmem>>)
        tpu.yield
      }) : () -> ()
      "tpu.region"() ({
        %run_scoped3A = tpu.sem_alloc : memref<!tpu.dma_semaphore, #tpu.memory_space<semaphore_mem>>
        %dma_start3A = tpu.memref_slice %arg3[%mul3A_0] : memref<2048xi32, #tpu.memory_space<hbm>> -> memref<128xi32, #tpu.memory_space<hbm>>
        %dma_start3A_173 = tpu.memref_slice %arg3[%mul3A_0] : memref<2048xi32, #tpu.memory_space<hbm>> -> memref<128xi32, #tpu.memory_space<hbm>>
        tpu.enqueue_dma source(%dma_start3A_173 : memref<128xi32, #tpu.memory_space<hbm>>) target(%arg8 : memref<128xi32, #tpu.memory_space<vmem>>) target_semaphore(%run_scoped3A : memref<!tpu.dma_semaphore, #tpu.memory_space<semaphore_mem>>)
        %dma_wait3A = tpu.memref_slice %arg3[%mul3A_0] : memref<2048xi32, #tpu.memory_space<hbm>> -> memref<128xi32, #tpu.memory_space<hbm>>
        %dma_wait3A_174 = tpu.memref_slice %arg3[%mul3A_0] : memref<2048xi32, #tpu.memory_space<hbm>> -> memref<128xi32, #tpu.memory_space<hbm>>
        tpu.wait_dma2 semaphore(%run_scoped3A : memref<!tpu.dma_semaphore, #tpu.memory_space<semaphore_mem>>) src(%dma_wait3A_174 : memref<128xi32, #tpu.memory_space<hbm>>) dst(%arg8 : memref<128xi32, #tpu.memory_space<vmem>>)
        tpu.yield
      }) : () -> ()
      %get3A = arith.constant 0 : index
      %get3A_8 = tpu.vector_load %arg7[%get3A] {strides = array<i32>} : memref<128xi32, #tpu.memory_space<vmem>>, vector<16xi32>,
      %get3A_9 = vector.shape_cast %get3A_8 : vector<16xi32> to vector<16xi32>
      %mul3A_10 = arith.constant 128 : i32
      %mul3A_11 = vector.broadcast %mul3A_10 : i32 to vector<16xi32>
      %mul3A_12 = arith.muli %get3A_9, %mul3A_11 : vector<16xi32>
      %get3A_13 = arith.constant 0 : index
      %get3A_14 = tpu.vector_load %arg8[%get3A_13] {strides = array<i32>} : memref<128xi32, #tpu.memory_space<vmem>>, vector<16xi32>,
      %get3A_15 = vector.shape_cast %get3A_14 : vector<16xi32> to vector<16xi32>
      %add3A = arith.addi %mul3A_12, %get3A_15 : vector<16xi32>
      %swap3A = arith.constant 0 : index
      %swap3A_16 = tpu.vector_load %arg8[%swap3A] {strides = array<i32>} : memref<128xi32, #tpu.memory_space<vmem>>, vector<16xi32>,
      %swap3A_17 = vector.shape_cast %swap3A_16 : vector<16xi32> to vector<16xi32>
      %swap3A_18 = vector.shape_cast %add3A : vector<16xi32> to vector<16xi32>
      tpu.vector_store %arg8[%swap3A], %swap3A_18 {strides = array<i32>} : memref<128xi32, #tpu.memory_space<vmem>>, vector<16xi32>,
      %broadcast_in_dim3A = arith.constant 1.000000e+00 : f32
      %broadcast_in_dim3A_19 = vector.broadcast %broadcast_in_dim3A : f32 to vector<16xf32>
      %swap3A_20 = arith.constant 0 : index
      %swap3A_21 = tpu.vector_load %arg9[%swap3A_20] {strides = array<i32>} : memref<128xf32, #tpu.memory_space<vmem>>, vector<16xf32>,
      %swap3A_22 = vector.shape_cast %swap3A_21 : vector<16xf32> to vector<16xf32>
      %swap3A_23 = vector.shape_cast %broadcast_in_dim3A_19 : vector<16xf32> to vector<16xf32>
      tpu.vector_store %arg9[%swap3A_20], %swap3A_23 {strides = array<i32>} : memref<128xf32, #tpu.memory_space<vmem>>, vector<16xf32>,
      %get3A_24 = arith.constant 16 : index
      %get3A_25 = tpu.vector_load %arg7[%get3A_24] {strides = array<i32>} : memref<128xi32, #tpu.memory_space<vmem>>, vector<16xi32>,
      %get3A_26 = vector.shape_cast %get3A_25 : vector<16xi32> to vector<16xi32>
      %mul3A_27 = arith.constant 128 : i32
      %mul3A_28 = vector.broadcast %mul3A_27 : i32 to vector<16xi32>
      %mul3A_29 = arith.muli %get3A_26, %mul3A_28 : vector<16xi32>
      %get3A_30 = arith.constant 16 : index
      %get3A_31 = tpu.vector_load %arg8[%get3A_30] {strides = array<i32>} : memref<128xi32, #tpu.memory_space<vmem>>, vector<16xi32>,
      %get3A_32 = vector.shape_cast %get3A_31 : vector<16xi32> to vector<16xi32>
      %add3A_33 = arith.addi %mul3A_29, %get3A_32 : vector<16xi32>
      %swap3A_34 = arith.constant 16 : index
      %swap3A_35 = tpu.vector_load %arg8[%swap3A_34] {strides = array<i32>} : memref<128xi32, #tpu.memory_space<vmem>>, vector<16xi32>,
      %swap3A_36 = vector.shape_cast %swap3A_35 : vector<16xi32> to vector<16xi32>
      %swap3A_37 = vector.shape_cast %add3A_33 : vector<16xi32> to vector<16xi32>
      tpu.vector_store %arg8[%swap3A_34], %swap3A_37 {strides = array<i32>} : memref<128xi32, #tpu.memory_space<vmem>>, vector<16xi32>,
      %broadcast_in_dim3A_38 = arith.constant 1.000000e+00 : f32
      %broadcast_in_dim3A_39 = vector.broadcast %broadcast_in_dim3A_38 : f32 to vector<16xf32>
      %swap3A_40 = arith.constant 16 : index
      %swap3A_41 = tpu.vector_load %arg9[%swap3A_40] {strides = array<i32>} : memref<128xf32, #tpu.memory_space<vmem>>, vector<16xf32>,
      %swap3A_42 = vector.shape_cast %swap3A_41 : vector<16xf32> to vector<16xf32>
      %swap3A_43 = vector.shape_cast %broadcast_in_dim3A_39 : vector<16xf32> to vector<16xf32>
      tpu.vector_store %arg9[%swap3A_40], %swap3A_43 {strides = array<i32>} : memref<128xf32, #tpu.memory_space<vmem>>, vector<16xf32>,
      %get3A_44 = arith.constant 32 : index
      %get3A_45 = tpu.vector_load %arg7[%get3A_44] {strides = array<i32>} : memref<128xi32, #tpu.memory_space<vmem>>, vector<16xi32>,
      %get3A_46 = vector.shape_cast %get3A_45 : vector<16xi32> to vector<16xi32>
      %mul3A_47 = arith.constant 128 : i32
      %mul3A_48 = vector.broadcast %mul3A_47 : i32 to vector<16xi32>
      %mul3A_49 = arith.muli %get3A_46, %mul3A_48 : vector<16xi32>
      %get3A_50 = arith.constant 32 : index
      %get3A_51 = tpu.vector_load %arg8[%get3A_50] {strides = array<i32>} : memref<128xi32, #tpu.memory_space<vmem>>, vector<16xi32>,
      %get3A_52 = vector.shape_cast %get3A_51 : vector<16xi32> to vector<16xi32>
      %add3A_53 = arith.addi %mul3A_49, %get3A_52 : vector<16xi32>
      %swap3A_54 = arith.constant 32 : index
      %swap3A_55 = tpu.vector_load %arg8[%swap3A_54] {strides = array<i32>} : memref<128xi32, #tpu.memory_space<vmem>>, vector<16xi32>,
      %swap3A_56 = vector.shape_cast %swap3A_55 : vector<16xi32> to vector<16xi32>
      %swap3A_57 = vector.shape_cast %add3A_53 : vector<16xi32> to vector<16xi32>
      tpu.vector_store %arg8[%swap3A_54], %swap3A_57 {strides = array<i32>} : memref<128xi32, #tpu.memory_space<vmem>>, vector<16xi32>,
      %broadcast_in_dim3A_58 = arith.constant 1.000000e+00 : f32
      %broadcast_in_dim3A_59 = vector.broadcast %broadcast_in_dim3A_58 : f32 to vector<16xf32>
      %swap3A_60 = arith.constant 32 : index
      %swap3A_61 = tpu.vector_load %arg9[%swap3A_60] {strides = array<i32>} : memref<128xf32, #tpu.memory_space<vmem>>, vector<16xf32>,
      %swap3A_62 = vector.shape_cast %swap3A_61 : vector<16xf32> to vector<16xf32>
      %swap3A_63 = vector.shape_cast %broadcast_in_dim3A_59 : vector<16xf32> to vector<16xf32>
      tpu.vector_store %arg9[%swap3A_60], %swap3A_63 {strides = array<i32>} : memref<128xf32, #tpu.memory_space<vmem>>, vector<16xf32>,
      %get3A_64 = arith.constant 48 : index
      %get3A_65 = tpu.vector_load %arg7[%get3A_64] {strides = array<i32>} : memref<128xi32, #tpu.memory_space<vmem>>, vector<16xi32>,
      %get3A_66 = vector.shape_cast %get3A_65 : vector<16xi32> to vector<16xi32>
      %mul3A_67 = arith.constant 128 : i32
      %mul3A_68 = vector.broadcast %mul3A_67 : i32 to vector<16xi32>
      %mul3A_69 = arith.muli %get3A_66, %mul3A_68 : vector<16xi32>
      %get3A_70 = arith.constant 48 : index
      %get3A_71 = tpu.vector_load %arg8[%get3A_70] {strides = array<i32>} : memref<128xi32, #tpu.memory_space<vmem>>, vector<16xi32>,
      %get3A_72 = vector.shape_cast %get3A_71 : vector<16xi32> to vector<16xi32>
      %add3A_73 = arith.addi %mul3A_69, %get3A_72 : vector<16xi32>
      %swap3A_74 = arith.constant 48 : index
      %swap3A_75 = tpu.vector_load %arg8[%swap3A_74] {strides = array<i32>} : memref<128xi32, #tpu.memory_space<vmem>>, vector<16xi32>,
      %swap3A_76 = vector.shape_cast %swap3A_75 : vector<16xi32> to vector<16xi32>
      %swap3A_77 = vector.shape_cast %add3A_73 : vector<16xi32> to vector<16xi32>
      tpu.vector_store %arg8[%swap3A_74], %swap3A_77 {strides = array<i32>} : memref<128xi32, #tpu.memory_space<vmem>>, vector<16xi32>,
      %broadcast_in_dim3A_78 = arith.constant 1.000000e+00 : f32
      %broadcast_in_dim3A_79 = vector.broadcast %broadcast_in_dim3A_78 : f32 to vector<16xf32>
      %swap3A_80 = arith.constant 48 : index
      %swap3A_81 = tpu.vector_load %arg9[%swap3A_80] {strides = array<i32>} : memref<128xf32, #tpu.memory_space<vmem>>, vector<16xf32>,
      %swap3A_82 = vector.shape_cast %swap3A_81 : vector<16xf32> to vector<16xf32>
      %swap3A_83 = vector.shape_cast %broadcast_in_dim3A_79 : vector<16xf32> to vector<16xf32>
      tpu.vector_store %arg9[%swap3A_80], %swap3A_83 {strides = array<i32>} : memref<128xf32, #tpu.memory_space<vmem>>, vector<16xf32>,
      %get3A_84 = arith.constant 64 : index
      %get3A_85 = tpu.vector_load %arg7[%get3A_84] {strides = array<i32>} : memref<128xi32, #tpu.memory_space<vmem>>, vector<16xi32>,
      %get3A_86 = vector.shape_cast %get3A_85 : vector<16xi32> to vector<16xi32>
      %mul3A_87 = arith.constant 128 : i32
      %mul3A_88 = vector.broadcast %mul3A_87 : i32 to vector<16xi32>
      %mul3A_89 = arith.muli %get3A_86, %mul3A_88 : vector<16xi32>
      %get3A_90 = arith.constant 64 : index
      %get3A_91 = tpu.vector_load %arg8[%get3A_90] {strides = array<i32>} : memref<128xi32, #tpu.memory_space<vmem>>, vector<16xi32>,
      %get3A_92 = vector.shape_cast %get3A_91 : vector<16xi32> to vector<16xi32>
      %add3A_93 = arith.addi %mul3A_89, %get3A_92 : vector<16xi32>
      %swap3A_94 = arith.constant 64 : index
      %swap3A_95 = tpu.vector_load %arg8[%swap3A_94] {strides = array<i32>} : memref<128xi32, #tpu.memory_space<vmem>>, vector<16xi32>,
      %swap3A_96 = vector.shape_cast %swap3A_95 : vector<16xi32> to vector<16xi32>
      %swap3A_97 = vector.shape_cast %add3A_93 : vector<16xi32> to vector<16xi32>
      tpu.vector_store %arg8[%swap3A_94], %swap3A_97 {strides = array<i32>} : memref<128xi32, #tpu.memory_space<vmem>>, vector<16xi32>,
      %broadcast_in_dim3A_98 = arith.constant 1.000000e+00 : f32
      %broadcast_in_dim3A_99 = vector.broadcast %broadcast_in_dim3A_98 : f32 to vector<16xf32>
      %swap3A_100 = arith.constant 64 : index
      %swap3A_101 = tpu.vector_load %arg9[%swap3A_100] {strides = array<i32>} : memref<128xf32, #tpu.memory_space<vmem>>, vector<16xf32>,
      %swap3A_102 = vector.shape_cast %swap3A_101 : vector<16xf32> to vector<16xf32>
      %swap3A_103 = vector.shape_cast %broadcast_in_dim3A_99 : vector<16xf32> to vector<16xf32>
      tpu.vector_store %arg9[%swap3A_100], %swap3A_103 {strides = array<i32>} : memref<128xf32, #tpu.memory_space<vmem>>, vector<16xf32>,
      %get3A_104 = arith.constant 80 : index
      %get3A_105 = tpu.vector_load %arg7[%get3A_104] {strides = array<i32>} : memref<128xi32, #tpu.memory_space<vmem>>, vector<16xi32>,
      %get3A_106 = vector.shape_cast %get3A_105 : vector<16xi32> to vector<16xi32>
      %mul3A_107 = arith.constant 128 : i32
      %mul3A_108 = vector.broadcast %mul3A_107 : i32 to vector<16xi32>
      %mul3A_109 = arith.muli %get3A_106, %mul3A_108 : vector<16xi32>
      %get3A_110 = arith.constant 80 : index
      %get3A_111 = tpu.vector_load %arg8[%get3A_110] {strides = array<i32>} : memref<128xi32, #tpu.memory_space<vmem>>, vector<16xi32>,
      %get3A_112 = vector.shape_cast %get3A_111 : vector<16xi32> to vector<16xi32>
      %add3A_113 = arith.addi %mul3A_109, %get3A_112 : vector<16xi32>
      %swap3A_114 = arith.constant 80 : index
      %swap3A_115 = tpu.vector_load %arg8[%swap3A_114] {strides = array<i32>} : memref<128xi32, #tpu.memory_space<vmem>>, vector<16xi32>,
      %swap3A_116 = vector.shape_cast %swap3A_115 : vector<16xi32> to vector<16xi32>
      %swap3A_117 = vector.shape_cast %add3A_113 : vector<16xi32> to vector<16xi32>
      tpu.vector_store %arg8[%swap3A_114], %swap3A_117 {strides = array<i32>} : memref<128xi32, #tpu.memory_space<vmem>>, vector<16xi32>,
      %broadcast_in_dim3A_118 = arith.constant 1.000000e+00 : f32
      %broadcast_in_dim3A_119 = vector.broadcast %broadcast_in_dim3A_118 : f32 to vector<16xf32>
      %swap3A_120 = arith.constant 80 : index
      %swap3A_121 = tpu.vector_load %arg9[%swap3A_120] {strides = array<i32>} : memref<128xf32, #tpu.memory_space<vmem>>, vector<16xf32>,
      %swap3A_122 = vector.shape_cast %swap3A_121 : vector<16xf32> to vector<16xf32>
      %swap3A_123 = vector.shape_cast %broadcast_in_dim3A_119 : vector<16xf32> to vector<16xf32>
      tpu.vector_store %arg9[%swap3A_120], %swap3A_123 {strides = array<i32>} : memref<128xf32, #tpu.memory_space<vmem>>, vector<16xf32>,
      %get3A_124 = arith.constant 96 : index
      %get3A_125 = tpu.vector_load %arg7[%get3A_124] {strides = array<i32>} : memref<128xi32, #tpu.memory_space<vmem>>, vector<16xi32>,
      %get3A_126 = vector.shape_cast %get3A_125 : vector<16xi32> to vector<16xi32>
      %mul3A_127 = arith.constant 128 : i32
      %mul3A_128 = vector.broadcast %mul3A_127 : i32 to vector<16xi32>
      %mul3A_129 = arith.muli %get3A_126, %mul3A_128 : vector<16xi32>
      %get3A_130 = arith.constant 96 : index
      %get3A_131 = tpu.vector_load %arg8[%get3A_130] {strides = array<i32>} : memref<128xi32, #tpu.memory_space<vmem>>, vector<16xi32>,
      %get3A_132 = vector.shape_cast %get3A_131 : vector<16xi32> to vector<16xi32>
      %add3A_133 = arith.addi %mul3A_129, %get3A_132 : vector<16xi32>
      %swap3A_134 = arith.constant 96 : index
      %swap3A_135 = tpu.vector_load %arg8[%swap3A_134] {strides = array<i32>} : memref<128xi32, #tpu.memory_space<vmem>>, vector<16xi32>,
      %swap3A_136 = vector.shape_cast %swap3A_135 : vector<16xi32> to vector<16xi32>
      %swap3A_137 = vector.shape_cast %add3A_133 : vector<16xi32> to vector<16xi32>
      tpu.vector_store %arg8[%swap3A_134], %swap3A_137 {strides = array<i32>} : memref<128xi32, #tpu.memory_space<vmem>>, vector<16xi32>,
      %broadcast_in_dim3A_138 = arith.constant 1.000000e+00 : f32
      %broadcast_in_dim3A_139 = vector.broadcast %broadcast_in_dim3A_138 : f32 to vector<16xf32>
      %swap3A_140 = arith.constant 96 : index
      %swap3A_141 = tpu.vector_load %arg9[%swap3A_140] {strides = array<i32>} : memref<128xf32, #tpu.memory_space<vmem>>, vector<16xf32>,
      %swap3A_142 = vector.shape_cast %swap3A_141 : vector<16xf32> to vector<16xf32>
      %swap3A_143 = vector.shape_cast %broadcast_in_dim3A_139 : vector<16xf32> to vector<16xf32>
      tpu.vector_store %arg9[%swap3A_140], %swap3A_143 {strides = array<i32>} : memref<128xf32, #tpu.memory_space<vmem>>, vector<16xf32>,
      %get3A_144 = arith.constant 112 : index
      %get3A_145 = tpu.vector_load %arg7[%get3A_144] {strides = array<i32>} : memref<128xi32, #tpu.memory_space<vmem>>, vector<16xi32>,
      %get3A_146 = vector.shape_cast %get3A_145 : vector<16xi32> to vector<16xi32>
      %mul3A_147 = arith.constant 128 : i32
      %mul3A_148 = vector.broadcast %mul3A_147 : i32 to vector<16xi32>
      %mul3A_149 = arith.muli %get3A_146, %mul3A_148 : vector<16xi32>
      %get3A_150 = arith.constant 112 : index
      %get3A_151 = tpu.vector_load %arg8[%get3A_150] {strides = array<i32>} : memref<128xi32, #tpu.memory_space<vmem>>, vector<16xi32>,
      %get3A_152 = vector.shape_cast %get3A_151 : vector<16xi32> to vector<16xi32>
      %add3A_153 = arith.addi %mul3A_149, %get3A_152 : vector<16xi32>
      %swap3A_154 = arith.constant 112 : index
      %swap3A_155 = tpu.vector_load %arg8[%swap3A_154] {strides = array<i32>} : memref<128xi32, #tpu.memory_space<vmem>>, vector<16xi32>,
      %swap3A_156 = vector.shape_cast %swap3A_155 : vector<16xi32> to vector<16xi32>
      %swap3A_157 = vector.shape_cast %add3A_153 : vector<16xi32> to vector<16xi32>
      tpu.vector_store %arg8[%swap3A_154], %swap3A_157 {strides = array<i32>} : memref<128xi32, #tpu.memory_space<vmem>>, vector<16xi32>,
      %broadcast_in_dim3A_158 = arith.constant 1.000000e+00 : f32
      %broadcast_in_dim3A_159 = vector.broadcast %broadcast_in_dim3A_158 : f32 to vector<16xf32>
      %swap3A_160 = arith.constant 112 : index
      %swap3A_161 = tpu.vector_load %arg9[%swap3A_160] {strides = array<i32>} : memref<128xf32, #tpu.memory_space<vmem>>, vector<16xf32>,
      %swap3A_162 = vector.shape_cast %swap3A_161 : vector<16xf32> to vector<16xf32>
      %swap3A_163 = vector.shape_cast %broadcast_in_dim3A_159 : vector<16xf32> to vector<16xf32>
      tpu.vector_store %arg9[%swap3A_160], %swap3A_163 {strides = array<i32>} : memref<128xf32, #tpu.memory_space<vmem>>, vector<16xf32>,
      %scan3A = arith.constant 0 : i32
      %scan3A_164 = arith.constant 0 : i32
      %scan3A_165 = arith.constant 256 : i32
      %scan3A_166 = arith.addi %scan3A_164, %scan3A_165 : i32
      %scan3A_167 = arith.constant 1 : i32
      %scan3A_168 = scf.for %scan3A_173 = %scan3A_164 to %scan3A_166 step %scan3A_167 iter_args(%scan3A_174 = %scan3A) -> (i32)  : i32 {
        %broadcast_in_dim3A_175 = arith.constant 0.000000e+00 : f32
        %broadcast_in_dim3A_176 = vector.broadcast %broadcast_in_dim3A_175 : f32 to vector<16xf32>
        %mul3A_177 = arith.constant 16 : i32
        %mul3A_178 = arith.muli %scan3A_173, %mul3A_177 : i32
        %swap3A_179 = arith.index_cast %mul3A_178 : i32 to index
        %swap3A_180 = tpu.vector_load %arg11[%swap3A_179] {strides = array<i32>} : memref<4096xf32, #tpu.memory_space<vmem>>, vector<16xf32>,
        %swap3A_181 = vector.shape_cast %swap3A_180 : vector<16xf32> to vector<16xf32>
        %swap3A_182 = vector.shape_cast %broadcast_in_dim3A_176 : vector<16xf32> to vector<16xf32>
        tpu.vector_store %arg11[%swap3A_179], %swap3A_182 {strides = array<i32>} : memref<4096xf32, #tpu.memory_space<vmem>>, vector<16xf32>,
        %scan3A_183 = arith.constant 0 : i32
        scf.yield %scan3A_183 : i32
      }
      %scan3A_169 = arith.constant 256 : i32
      %mul3A_170 = arith.constant 4096 : i32
      %mul3A_171 = arith.muli %arg1, %mul3A_170 : i32
      "tpu.region"() ({
        %run_scoped3A = tpu.sem_alloc : memref<!tpu.dma_semaphore, #tpu.memory_space<semaphore_mem>>
        %dma_start3A = tpu.memref_slice %arg12[%mul3A_171] : memref<65536xf32, #tpu.memory_space<vmem_shared>> -> memref<4096xf32, #tpu.memory_space<vmem_shared>>
        %dma_start3A_173 = tpu.memref_slice %arg12[%mul3A_171] : memref<65536xf32, #tpu.memory_space<vmem_shared>> -> memref<4096xf32, #tpu.memory_space<vmem_shared>>
        tpu.enqueue_dma source(%arg11 : memref<4096xf32, #tpu.memory_space<vmem>>) target(%dma_start3A_173 : memref<4096xf32, #tpu.memory_space<vmem_shared>>) target_semaphore(%run_scoped3A : memref<!tpu.dma_semaphore, #tpu.memory_space<semaphore_mem>>)
        %dma_wait3A = tpu.memref_slice %arg12[%mul3A_171] : memref<65536xf32, #tpu.memory_space<vmem_shared>> -> memref<4096xf32, #tpu.memory_space<vmem_shared>>
        %dma_wait3A_174 = tpu.memref_slice %arg12[%mul3A_171] : memref<65536xf32, #tpu.memory_space<vmem_shared>> -> memref<4096xf32, #tpu.memory_space<vmem_shared>>
        tpu.wait_dma2 semaphore(%run_scoped3A : memref<!tpu.dma_semaphore, #tpu.memory_space<semaphore_mem>>) src(%arg11 : memref<4096xf32, #tpu.memory_space<vmem>>) dst(%dma_wait3A_174 : memref<4096xf32, #tpu.memory_space<vmem_shared>>)
        tpu.yield
      }) : () -> ()
      %barrier3A = arith.constant 0 : index
      tpu.barrier barrier_id(%barrier3A)
      "tpu.region"() ({
        %run_scoped3A = tpu.sem_alloc : memref<!tpu.dma_semaphore, #tpu.memory_space<semaphore_mem>>
        %dma_start3A = arith.constant 0 : i32
        %dma_start3A_173 = tpu.memref_slice %arg12[%dma_start3A] : memref<65536xf32, #tpu.memory_space<vmem_shared>> -> memref<65536xf32, #tpu.memory_space<vmem_shared>>
        tpu.enqueue_indirect_dma source(%arg9 : memref<128xf32, #tpu.memory_space<vmem>>) target(%dma_start3A_173 : memref<65536xf32, #tpu.memory_space<vmem_shared>>) offsets(%arg8 : memref<128xi32, #tpu.memory_space<vmem>>) semaphore(%run_scoped3A : memref<!tpu.dma_semaphore, #tpu.memory_space<semaphore_mem>>) {add = true}
        %dma_wait3A = arith.constant 0 : i32
        %dma_wait3A_174 = tpu.memref_slice %arg12[%dma_wait3A] : memref<65536xf32, #tpu.memory_space<vmem_shared>> -> memref<65536xf32, #tpu.memory_space<vmem_shared>>
        tpu.wait_indirect_dma semaphore(%run_scoped3A : memref<!tpu.dma_semaphore, #tpu.memory_space<semaphore_mem>>) src(%arg9 : memref<128xf32, #tpu.memory_space<vmem>>) dst(%dma_wait3A_174 : memref<65536xf32, #tpu.memory_space<vmem_shared>>)
        tpu.yield
      }) : () -> ()
      %barrier3A_172 = arith.constant 0 : index
      tpu.barrier barrier_id(%barrier3A_172)
      "tpu.region"() ({
        %run_scoped3A = tpu.sem_alloc : memref<!tpu.dma_semaphore, #tpu.memory_space<semaphore_mem>>
        %dma_start3A = tpu.memref_slice %arg12[%mul3A_171] : memref<65536xf32, #tpu.memory_space<vmem_shared>> -> memref<4096xf32, #tpu.memory_space<vmem_shared>>
        %dma_start3A_173 = tpu.memref_slice %arg12[%mul3A_171] : memref<65536xf32, #tpu.memory_space<vmem_shared>> -> memref<4096xf32, #tpu.memory_space<vmem_shared>>
        tpu.enqueue_dma source(%dma_start3A_173 : memref<4096xf32, #tpu.memory_space<vmem_shared>>) target(%arg11 : memref<4096xf32, #tpu.memory_space<vmem>>) target_semaphore(%run_scoped3A : memref<!tpu.dma_semaphore, #tpu.memory_space<semaphore_mem>>)
        %dma_wait3A = tpu.memref_slice %arg12[%mul3A_171] : memref<65536xf32, #tpu.memory_space<vmem_shared>> -> memref<4096xf32, #tpu.memory_space<vmem_shared>>
        %dma_wait3A_174 = tpu.memref_slice %arg12[%mul3A_171] : memref<65536xf32, #tpu.memory_space<vmem_shared>> -> memref<4096xf32, #tpu.memory_space<vmem_shared>>
        tpu.wait_dma2 semaphore(%run_scoped3A : memref<!tpu.dma_semaphore, #tpu.memory_space<semaphore_mem>>) src(%dma_wait3A_174 : memref<4096xf32, #tpu.memory_space<vmem_shared>>) dst(%arg11 : memref<4096xf32, #tpu.memory_space<vmem>>)
        tpu.yield
      }) : () -> ()
      "tpu.region"() ({
        %run_scoped3A = tpu.sem_alloc : memref<!tpu.dma_semaphore, #tpu.memory_space<semaphore_mem>>
        %dma_start3A = tpu.memref_slice %arg6[%mul3A_171] : memref<65536xf32, #tpu.memory_space<hbm>> -> memref<4096xf32, #tpu.memory_space<hbm>>
        %dma_start3A_173 = tpu.memref_slice %arg6[%mul3A_171] : memref<65536xf32, #tpu.memory_space<hbm>> -> memref<4096xf32, #tpu.memory_space<hbm>>
        tpu.enqueue_dma source(%arg11 : memref<4096xf32, #tpu.memory_space<vmem>>) target(%dma_start3A_173 : memref<4096xf32, #tpu.memory_space<hbm>>) target_semaphore(%run_scoped3A : memref<!tpu.dma_semaphore, #tpu.memory_space<semaphore_mem>>)
        %dma_wait3A = tpu.memref_slice %arg6[%mul3A_171] : memref<65536xf32, #tpu.memory_space<hbm>> -> memref<4096xf32, #tpu.memory_space<hbm>>
        %dma_wait3A_174 = tpu.memref_slice %arg6[%mul3A_171] : memref<65536xf32, #tpu.memory_space<hbm>> -> memref<4096xf32, #tpu.memory_space<hbm>>
        tpu.wait_dma2 semaphore(%run_scoped3A : memref<!tpu.dma_semaphore, #tpu.memory_space<semaphore_mem>>) src(%arg11 : memref<4096xf32, #tpu.memory_space<vmem>>) dst(%dma_wait3A_174 : memref<4096xf32, #tpu.memory_space<hbm>>)
        tpu.yield
      }) : () -> ()
    } else {
    }
    return
  }
}

module attributes {stable_mosaic.version = 14 : i64} {
  func.func @_tc2_body(%arg0: memref<2048x64xf32, #tpu.memory_space<vmem>>, %arg1: memref<2048xi32, #tpu.memory_space<vmem>>, %arg2: memref<512xf32, #tpu.memory_space<vmem>>, %arg3: memref<64x512xf32, #tpu.memory_space<vmem>>, %arg4: memref<64x512xf32, #tpu.memory_space<vmem>>, %arg5: memref<512xf32, #tpu.memory_space<vmem>>, %arg6: memref<64x512xf32, #tpu.memory_space<vmem>>) attributes {dimension_semantics = [], scalar_prefetch = 0 : i64, scratch_operands = 0 : i64, tpu.core_type = #tpu.core_type<tc>} {
    %get3A = arith.constant 0 : index
    %get3A_0 = arith.constant 0 : index
    %get3A_1 = vector.load %arg0[%get3A, %get3A_0] : memref<2048x64xf32, #tpu.memory_space<vmem>>, vector<2048x64xf32>
    %get3A_2 = arith.constant 0 : index
    %get3A_3 = vector.load %arg1[%get3A_2] : memref<2048xi32, #tpu.memory_space<vmem>>, vector<2048xi32>
    %broadcast_in_dim3A = vector.shape_cast %get3A_3 : vector<2048xi32> to vector<2048x1xi32>
    %iota3A = tpu.iota {dimensions = array<i32: 1>} : vector<1x512xi32>
    %eq3A = vector.broadcast %broadcast_in_dim3A : vector<2048x1xi32> to vector<2048x512xi32>
    %eq3A_4 = vector.broadcast %iota3A : vector<1x512xi32> to vector<2048x512xi32>
    %eq3A_5 = arith.cmpi eq, %eq3A, %eq3A_4 : vector<2048x512xi32>
    %convert_element_type3A = arith.extui %eq3A_5 : vector<2048x512xi1> to vector<2048x512xi32>
    %convert_element_type3A_6 = arith.sitofp %convert_element_type3A : vector<2048x512xi32> to vector<2048x512xf32>
    %reduce_sum3A = arith.constant dense<0.000000e+00> : vector<512xf32>
    %reduce_sum3A_7 = vector.multi_reduction <add>, %convert_element_type3A_6, %reduce_sum3A [0] : vector<2048x512xf32> to vector<512xf32>
    %broadcast_in_dim3A_8 = vector.shape_cast %reduce_sum3A_7 : vector<512xf32> to vector<1x512xf32>
    %eq3A_9 = arith.constant 0.000000e+00 : f32
    %eq3A_10 = vector.broadcast %eq3A_9 : f32 to vector<1x512xf32>
    %eq3A_11 = arith.cmpf oeq, %broadcast_in_dim3A_8, %eq3A_10 : vector<1x512xf32>
    %jit3A = arith.constant 1.000000e+00 : f32
    %broadcast_in_dim3A_12 = vector.broadcast %jit3A : f32 to vector<1x512xf32>
    %select_n3A = arith.select %eq3A_11, %broadcast_in_dim3A_12, %broadcast_in_dim3A_8 : vector<1x512xi1>, vector<1x512xf32>
    %get3A_13 = arith.constant 0 : index
    %get3A_14 = vector.load %arg2[%get3A_13] : memref<512xf32, #tpu.memory_space<vmem>>, vector<512xf32>
    %broadcast_in_dim3A_15 = vector.shape_cast %get3A_14 : vector<512xf32> to vector<1x512xf32>
    %mul3A = arith.constant 9.900000e-01 : f32
    %mul3A_16 = vector.broadcast %mul3A : f32 to vector<1x512xf32>
    %mul3A_17 = arith.mulf %broadcast_in_dim3A_15, %mul3A_16 : vector<1x512xf32>
    %mul3A_18 = arith.constant 0.00999999977 : f32
    %mul3A_19 = vector.broadcast %mul3A_18 : f32 to vector<1x512xf32>
    %mul3A_20 = arith.mulf %mul3A_19, %select_n3A : vector<1x512xf32>
    %add3A = arith.addf %mul3A_17, %mul3A_20 : vector<1x512xf32>
    %squeeze3A = vector.shape_cast %add3A : vector<1x512xf32> to vector<512xf32>
    %swap3A = arith.constant 0 : index
    %swap3A_21 = vector.load %arg5[%swap3A] : memref<512xf32, #tpu.memory_space<vmem>>, vector<512xf32>
    tpu.vector_store %arg5[%swap3A], %squeeze3A {strides = array<i32>} : memref<512xf32, #tpu.memory_space<vmem>>, vector<512xf32>,
    %dot_general3A = arith.constant dense<0.000000e+00> : vector<64x512xf32>
    %dot_general3A_22 = tpu.matmul %get3A_1, %convert_element_type3A_6, %dot_general3A {dimension_numbers = #tpu.dot_dimension_numbers<[0], [0], [1], [1], [0, 1, 1, 1], [], []>, transpose_lhs_hint = false} : vector<2048x64xf32>, vector<2048x512xf32>, vector<64x512xf32> -> vector<64x512xf32>
    %get3A_23 = arith.constant 0 : index
    %get3A_24 = arith.constant 0 : index
    %get3A_25 = vector.load %arg3[%get3A_23, %get3A_24] : memref<64x512xf32, #tpu.memory_space<vmem>>, vector<64x512xf32>
    %mul3A_26 = arith.constant 9.900000e-01 : f32
    %mul3A_27 = vector.broadcast %mul3A_26 : f32 to vector<64x512xf32>
    %mul3A_28 = arith.mulf %get3A_25, %mul3A_27 : vector<64x512xf32>
    %mul3A_29 = arith.constant 0.00999999977 : f32
    %mul3A_30 = vector.broadcast %mul3A_29 : f32 to vector<64x512xf32>
    %mul3A_31 = arith.mulf %mul3A_30, %dot_general3A_22 : vector<64x512xf32>
    %add3A_32 = arith.addf %mul3A_28, %mul3A_31 : vector<64x512xf32>
    %swap3A_33 = arith.constant 0 : index
    %swap3A_34 = arith.constant 0 : index
    %swap3A_35 = vector.load %arg6[%swap3A_33, %swap3A_34] : memref<64x512xf32, #tpu.memory_space<vmem>>, vector<64x512xf32>
    tpu.vector_store %arg6[%swap3A_33, %swap3A_34], %add3A_32 {strides = array<i32>} : memref<64x512xf32, #tpu.memory_space<vmem>>, vector<64x512xf32>,
    %reduce_sum3A_36 = vector.shape_cast %add3A : vector<1x512xf32> to vector<1x1x512xf32>
    %reduce_sum3A_37 = arith.constant dense<0.000000e+00> : vector<1xf32>
    %reduce_sum3A_38 = vector.multi_reduction <add>, %reduce_sum3A_36, %reduce_sum3A_37 [1, 2] : vector<1x1x512xf32> to vector<1xf32>
    %reduce_sum3A_39 = vector.shape_cast %reduce_sum3A_38 : vector<1xf32> to vector<1x1x1xf32>
    %reduce_sum3A_40 = vector.extract %reduce_sum3A_39[0, 0, 0] : f32 from vector<1x1x1xf32>
    %add3A_41 = arith.constant 9.99999974E-6 : f32
    %add3A_42 = vector.broadcast %add3A_41 : f32 to vector<1x512xf32>
    %add3A_43 = arith.addf %add3A, %add3A_42 : vector<1x512xf32>
    %add3A_44 = arith.constant 5.120000e-03 : f32
    %add3A_45 = arith.addf %reduce_sum3A_40, %add3A_44 : f32
    %div3A = vector.broadcast %add3A_45 : f32 to vector<1x512xf32>
    %div3A_46 = arith.divf %add3A_43, %div3A : vector<1x512xf32>
    %mul3A_47 = vector.broadcast %reduce_sum3A_40 : f32 to vector<1x512xf32>
    %mul3A_48 = arith.mulf %div3A_46, %mul3A_47 : vector<1x512xf32>
    %div3A_49 = vector.broadcast %mul3A_48 : vector<1x512xf32> to vector<64x512xf32>
    %div3A_50 = arith.divf %add3A_32, %div3A_49 : vector<64x512xf32>
    %swap3A_51 = arith.constant 0 : index
    %swap3A_52 = arith.constant 0 : index
    %swap3A_53 = vector.load %arg4[%swap3A_51, %swap3A_52] : memref<64x512xf32, #tpu.memory_space<vmem>>, vector<64x512xf32>
    tpu.vector_store %arg4[%swap3A_51, %swap3A_52], %div3A_50 {strides = array<i32>} : memref<64x512xf32, #tpu.memory_space<vmem>>, vector<64x512xf32>,
    return
  }
}

module attributes {stable_mosaic.version = 14 : i64} {
  func.func @_tc1_body(%arg0: memref<2048x64xf32, #tpu.memory_space<vmem>>, %arg1: memref<64x512xf32, #tpu.memory_space<vmem>>, %arg2: memref<2048xi32, #tpu.memory_space<vmem>>, %arg3: memref<512x128xf32, #tpu.memory_space<vmem>>) attributes {dimension_semantics = [], scalar_prefetch = 0 : i64, scratch_operands = 0 : i64, tpu.core_type = #tpu.core_type<tc>} {
    %get3A = arith.constant 0 : index
    %get3A_0 = arith.constant 0 : index
    %get3A_1 = vector.load %arg0[%get3A, %get3A_0] : memref<2048x64xf32, #tpu.memory_space<vmem>>, vector<2048x64xf32>
    %get3A_2 = arith.constant 0 : index
    %get3A_3 = arith.constant 0 : index
    %get3A_4 = vector.load %arg1[%get3A_2, %get3A_3] : memref<64x512xf32, #tpu.memory_space<vmem>>, vector<64x512xf32>
    %dot_general3A = arith.constant dense<0.000000e+00> : vector<2048x512xf32>
    %dot_general3A_5 = tpu.matmul %get3A_1, %get3A_4, %dot_general3A {dimension_numbers = #tpu.dot_dimension_numbers<[1], [0], [0], [1], [0, 0, 1, 1], [], []>, precision = #tpu.contract_precision<fp32>, transpose_lhs_hint = false} : vector<2048x64xf32>, vector<64x512xf32>, vector<2048x512xf32> -> vector<2048x512xf32>
    %mul3A = arith.mulf %get3A_1, %get3A_1 : vector<2048x64xf32>
    %reduce_sum3A = arith.constant dense<0.000000e+00> : vector<2048xf32>
    %reduce_sum3A_6 = vector.multi_reduction <add>, %mul3A, %reduce_sum3A [1] : vector<2048x64xf32> to vector<2048xf32>
    %broadcast_in_dim3A = vector.shape_cast %reduce_sum3A_6 : vector<2048xf32> to vector<2048x1xf32>
    %mul3A_7 = arith.mulf %get3A_4, %get3A_4 : vector<64x512xf32>
    %reduce_sum3A_8 = arith.constant dense<0.000000e+00> : vector<512xf32>
    %reduce_sum3A_9 = vector.multi_reduction <add>, %mul3A_7, %reduce_sum3A_8 [0] : vector<64x512xf32> to vector<512xf32>
    %broadcast_in_dim3A_10 = vector.shape_cast %reduce_sum3A_9 : vector<512xf32> to vector<1x512xf32>
    %mul3A_11 = arith.constant 2.000000e+00 : f32
    %mul3A_12 = vector.broadcast %mul3A_11 : f32 to vector<2048x512xf32>
    %mul3A_13 = arith.mulf %mul3A_12, %dot_general3A_5 : vector<2048x512xf32>
    %sub3A = vector.broadcast %broadcast_in_dim3A : vector<2048x1xf32> to vector<2048x512xf32>
    %sub3A_14 = arith.subf %sub3A, %mul3A_13 : vector<2048x512xf32>
    %add3A = vector.broadcast %broadcast_in_dim3A_10 : vector<1x512xf32> to vector<2048x512xf32>
    %add3A_15 = arith.addf %sub3A_14, %add3A : vector<2048x512xf32>
    %max3A = arith.constant 0.000000e+00 : f32
    %max3A_16 = vector.broadcast %max3A : f32 to vector<2048x512xf32>
    %max3A_17 = arith.maximumf %add3A_15, %max3A_16 : vector<2048x512xf32>
    %sqrt3A = math.sqrt %max3A_17 : vector<2048x512xf32>
    %argmin3A = tpu.reduce_index %sqrt3A {axis = 1 : i32, kind = #tpu.reduction_kind<arg_min>} : vector<2048x512xf32> -> vector<2048xi32>
    %swap3A = arith.constant 0 : index
    %swap3A_18 = vector.load %arg2[%swap3A] : memref<2048xi32, #tpu.memory_space<vmem>>, vector<2048xi32>
    tpu.vector_store %arg2[%swap3A], %argmin3A {strides = array<i32>} : memref<2048xi32, #tpu.memory_space<vmem>>, vector<2048xi32>,
    %transpose3A = tpu.transpose %get3A_4, [1, 0] : vector<64x512xf32> -> vector<512x64xf32>
    %swap3A_19 = arith.constant 0 : index
    %swap3A_20 = arith.constant 0 : index
    %swap3A_21 = vector.load %arg3[%swap3A_19, %swap3A_20] : memref<512x128xf32, #tpu.memory_space<vmem>>, vector<512x64xf32>
    tpu.vector_store %arg3[%swap3A_19, %swap3A_20], %transpose3A {strides = array<i32>} : memref<512x128xf32, #tpu.memory_space<vmem>>, vector<512x64xf32>,
    return
  }
}

module attributes {stable_mosaic.version = 14 : i64} {
  func.func @_tc3_body(%arg0: memref<512x100xf32, #tpu.memory_space<vmem>>, %arg1: memref<65536xf32, #tpu.memory_space<vmem>>, %arg2: memref<2048x128xf32, #tpu.memory_space<vmem>>, %arg3: memref<512x100xf32, #tpu.memory_space<vmem>>, %arg4: memref<2048x64xf32, #tpu.memory_space<vmem>>) attributes {dimension_semantics = [], scalar_prefetch = 0 : i64, scratch_operands = 0 : i64, tpu.core_type = #tpu.core_type<tc>} {
    %get3A = arith.constant 0 : index
    %get3A_0 = vector.load %arg1[%get3A] : memref<65536xf32, #tpu.memory_space<vmem>>, vector<65536xf32>
    %reshape3A = vector.shape_cast %get3A_0 : vector<65536xf32> to vector<512x128xf32>
    %get3A_1 = arith.constant 0 : index
    %get3A_2 = arith.constant 0 : index
    %get3A_3 = vector.load %arg0[%get3A_1, %get3A_2] : memref<512x100xf32, #tpu.memory_space<vmem>>, vector<512x100xf32>
    %mul3A = arith.constant 9.900000e-01 : f32
    %mul3A_4 = vector.broadcast %mul3A : f32 to vector<512x100xf32>
    %mul3A_5 = arith.mulf %get3A_3, %mul3A_4 : vector<512x100xf32>
    %slice3A = vector.extract_strided_slice %reshape3A {offsets = [0, 0], sizes = [512, 100], strides = [1, 1]} : vector<512x128xf32> to vector<512x100xf32>
    %mul3A_6 = arith.constant 0.00999999977 : f32
    %mul3A_7 = vector.broadcast %mul3A_6 : f32 to vector<512x100xf32>
    %mul3A_8 = arith.mulf %mul3A_7, %slice3A : vector<512x100xf32>
    %add3A = arith.addf %mul3A_5, %mul3A_8 : vector<512x100xf32>
    %swap3A = arith.constant 0 : index
    %swap3A_9 = arith.constant 0 : index
    %swap3A_10 = vector.load %arg3[%swap3A, %swap3A_9] : memref<512x100xf32, #tpu.memory_space<vmem>>, vector<512x100xf32>
    tpu.vector_store %arg3[%swap3A, %swap3A_9], %add3A {strides = array<i32>} : memref<512x100xf32, #tpu.memory_space<vmem>>, vector<512x100xf32>,
    %get3A_11 = arith.constant 0 : index
    %get3A_12 = arith.constant 0 : index
    %get3A_13 = vector.load %arg2[%get3A_11, %get3A_12] : memref<2048x128xf32, #tpu.memory_space<vmem>>, vector<2048x64xf32>
    %swap3A_14 = arith.constant 0 : index
    %swap3A_15 = arith.constant 0 : index
    %swap3A_16 = vector.load %arg4[%swap3A_14, %swap3A_15] : memref<2048x64xf32, #tpu.memory_space<vmem>>, vector<2048x64xf32>
    tpu.vector_store %arg4[%swap3A_14, %swap3A_15], %get3A_13 {strides = array<i32>} : memref<2048x64xf32, #tpu.memory_space<vmem>>, vector<2048x64xf32>,
    return
  }
}

</mosaic_0001>

<sc_bundles>
// kernel: kernel.6.cloned.1.call-start
scs
__scs_entry_jumppad:
0x0: {  	(pc) =	sbr.rel $0x88, $3  }
0x1: {  	(tag) =	ssettag $0x0;
	lr =	simm.s32 $0x1  }
0x2: {  	[smem:$0x3F9B] =	sst lr;
	_ =	strace $0xD0000000  }
0x3: {  	_ = 	snop  }
0x4: {  	_ = 	snop  }
0x5: {  	_ = 	snop  }
0x6: {  	_ = 	snop  }
0x7: {  	_ = 	snop  }
__scs_overlays_trampoline_lowered:
0x8: {  	[smem:$0x3FAA] =	sst s0  }
0x9: {  	[smem:$0x3FAB] =	sst s1  }
0xa: {  	[smem:$0x3FAC] =	sst s2  }
0xb: {  	[smem:$0x3FAD] =	sst s3  }
0xc: {  	[smem:$0x3FAE] =	sst s4  }
0xd: {  	[smem:$0x3FAF] =	sst s5  }
0xe: {  	[smem:$0x3FB0] =	sst s6  }
0xf: {  	[smem:$0x3FB1] =	sst s7  }
0x10: {  	[smem:$0x3FB2] =	sst s8  }
0x11: {  	[smem:$0x3FB3] =	sst s9;
	s0 =	simm.s32 @!p0 $0x0  }
0x12: {  	s1 =	sld [smem:$0x3F99];
	s0 =	simm.s32 @p0 $0x1  }
0x13: {  	[smem:$0x3FB4] =	sst s0;
	s0 =	simm.s32 @!p1 $0x0  }
0x14: {  	s2 =	sld [smem:$0x3F98];
	s0 =	simm.s32 @p1 $0x1  }
0x15: {  	[smem:$0x3FB5] =	sst s0;
	s0 =	simm.s32 @!p2 $0x0  }
0x16: {  	s3 =	sld [smem:$0x3FDB];
	s0 =	simm.s32 @p2 $0x1  }
0x17: {  	s4 =	simm.s32 $0x1BF5;
	[smem:$0x3FB7] =	sst s0  }
0x18: {  	s0 =	sld [smem:$0x3F9A];
	_ =	swait.ge [sflag:s4], $0x0  }
0x19: {  	s7 =	sld [smem:$0x3F9B]  }
0x1a: {  	s8 =	sadd.s32 $0xFFFFE003, lr  }
0x1b: {  	s9 =	sadd.s32 $0xFFFFFEF7, lr;
	s5 =	simm.s32 $0xFFFFFFFF;
	p2 =	slt.u32 s8, $0xFFFFF086  }
0x1c: {  	p1 =	slt.u32 s9, $0xF7A;
	s5 =	simm.s32 @!p2 $0x0  }
0x1d: {  	s5 =	simm.s32 @p1 $0x1;
	p0 =	seq.s32 s7, s2  }
0x1e: {  	s7 =	smul.u32 @!p0 $0xF7A, s2;
	p2 =	seq.s32 @!p0 s5, $0x0  }
0x1f: {  	s9 =	smul.u32 $0xF7A, s1;
	s8 =	simm.s32 @!p0 $0x1BF5;
	p2 =	por !p2, p0  }
0x20: {  	[sflag:s8] =	ssyncset.s32 @!p0 $0xFFFFF086;
	s6 =	sadd.s32 @!p0 s3, s7;
	s7 =	simm.s32 @!p0 $0x108  }
0x21: {  	s3 =	sadd.s32 s3, s9;
	s6 =	sadd.s32 @!p0 $0x88, s6;
	s7 =	simm.s32 @p2 $0x1082  }
0x22: {  	[simem:s7], [sflag:s8] =	dma.local @!p0 [hbm:s6], $0xF7A  }
0x23: {  	s9 =	sor.u32 $0xD0000000, s2;
	s6 =	simm.s32 $0x108;
	_ =	swait.ge @!p0 [sflag:s8], $0x0  }
0x24: {  	s3 =	sadd.s32 $0x88, s3;
	s6 =	simm.s32 @!p1 $0x1082;
	[sflag:s4] =	ssyncset.s32 $0xFFFFF086  }
0x25: {  	[simem:s6], [sflag:s4] =	dma.local [hbm:s3], $0xF7A  }
0x26: {  	[smem:$0x3F9B] =	sst s1;
	(tag) =	ssettag s2;
	_ =	strace s9  }
0x27: {  	s1 =	sld [smem:$0x3FAB]  }
0x28: {  	s2 =	sld [smem:$0x3FAC]  }
0x29: {  	s4 =	sld [smem:$0x3FAE]  }
0x2a: {  	p0 =	seq.s32 s5, $0x0;
	s5 =	sld [smem:$0x3FAF]  }
0x2b: {  	s6 =	sld [smem:$0x3FB0]  }
0x2c: {  	s7 =	sld [smem:$0x3FB1]  }
0x2d: {  	s3 =	simm.s32 $0x108;
	s8 =	sld [smem:$0x3FB2]  }
0x2e: {  	s3 =	simm.s32 @!p0 $0x1082;
	s9 =	sld [smem:$0x3FB3]  }
0x2f: {  	lr =	sadd.s32 s0, s3;
	s0 =	sld [smem:$0x3FAA]  }
0x30: {  	s3 =	sld [smem:$0x3FAD]  }
0x31: {  	[smem:$0x3FB6] =	sst s10  }
0x32: {  	s10 =	sld [smem:$0x3FB4];
	_ =	sdelay $0x3  }
0x33: {  	p0 =	seq.s32 s10, $0x1;
	s10 =	sld [smem:$0x3FB6];
	_ =	sdelay $0x3  }
0x34: {  	[smem:$0x3FB6] =	sst s10  }
0x35: {  	s10 =	sld [smem:$0x3FB5];
	_ =	sdelay $0x3  }
0x36: {  	p1 =	seq.s32 s10, $0x1;
	s10 =	sld [smem:$0x3FB6];
	_ =	sdelay $0x3  }
0x37: {  	[smem:$0x3FB6] =	sst s10  }
0x38: {  	s10 =	sld [smem:$0x3FB7]  }
0x39: {  	_ = 	snop;
	(pc) =	sbr.ind lr, $3  }
0x3a: {  	_ = 	snop  }
0x3b: {  	_ = 	snop  }
0x3c: {  	p2 =	seq.s32 s10, $0x1;
	s10 =	sld [smem:$0x3FB6]  }
0x3d: {  	_ =	shalt  }
0x3e: {  	_ =	shalt  }
0x3f: {  	_ =	shalt  }
0x40: {  	_ =	shalt  }
0x41: {  	_ =	shalt  }
0x42: {  	_ =	shalt  }
0x43: {  	_ =	shalt  }
0x44: {  	_ =	shalt  }
0x45: {  	_ =	shalt  }
0x46: {  	_ =	shalt  }
0x47: {  	_ =	shalt  }
0x48: {  	_ =	shalt  }
0x49: {  	_ =	shalt  }
0x4a: {  	_ =	shalt  }
0x4b: {  	_ =	shalt  }
0x4c: {  	_ =	shalt  }
0x4d: {  	_ =	shalt  }
0x4e: {  	_ =	shalt  }
0x4f: {  	_ =	shalt  }
0x50: {  	_ =	shalt  }
0x51: {  	_ =	shalt  }
0x52: {  	_ =	shalt  }
0x53: {  	_ =	shalt  }
0x54: {  	_ =	shalt  }
0x55: {  	_ =	shalt  }
0x56: {  	_ =	shalt  }
0x57: {  	_ =	shalt  }
0x58: {  	_ =	shalt  }
0x59: {  	_ =	shalt  }
0x5a: {  	_ =	shalt  }
0x5b: {  	_ =	shalt  }
0x5c: {  	_ =	shalt  }
0x5d: {  	_ =	shalt  }
0x5e: {  	_ =	shalt  }
0x5f: {  	_ =	shalt  }
0x60: {  	_ =	shalt  }
0x61: {  	_ =	shalt  }
0x62: {  	_ =	shalt  }
0x63: {  	_ =	shalt  }
0x64: {  	_ =	shalt  }
0x65: {  	_ =	shalt  }
0x66: {  	_ =	shalt  }
0x67: {  	_ =	shalt  }
0x68: {  	_ =	shalt  }
0x69: {  	_ =	shalt  }
0x6a: {  	_ =	shalt  }
0x6b: {  	_ =	shalt  }
0x6c: {  	_ =	shalt  }
0x6d: {  	_ =	shalt  }
0x6e: {  	_ =	shalt  }
0x6f: {  	_ =	shalt  }
0x70: {  	_ =	shalt  }
0x71: {  	_ =	shalt  }
0x72: {  	_ =	shalt  }
0x73: {  	_ =	shalt  }
0x74: {  	_ =	shalt  }
0x75: {  	_ =	shalt  }
0x76: {  	_ =	shalt  }
0x77: {  	_ =	shalt  }
0x78: {  	_ =	shalt  }
0x79: {  	_ =	shalt  }
0x7a: {  	_ =	shalt  }
0x7b: {  	_ =	shalt  }
0x7c: {  	_ =	shalt  }
0x7d: {  	_ =	shalt  }
0x7e: {  	_ =	shalt  }
0x7f: {  	_ =	shalt  }
0x80: {  	_ =	shalt  }
0x81: {  	_ =	shalt  }
0x82: {  	_ =	shalt  }
0x83: {  	_ =	shalt  }
0x84: {  	_ =	shalt  }
0x85: {  	_ =	shalt  }
0x86: {  	_ =	shalt  }
0x87: {  	_ =	shalt  }
.Lfunc_end0:
.L_simem_size_0:
called_computation_lowered:
.L_overlay_start_0:
0x88: {  	s2 =	sld [smem:$0x3FD9]  }
0x89: {  	s3 =	sld [smem:$0x3FFE];
	_ =	sdelay $0x1  }
0x8a: {  	s1 =	srdreg.scid  }
0x8b: {  	s0 =	sand.u32 $0x1, s1  }
0x8c: {  	s14 =	sshll.u32 s0, $0xA;
	s2 =	sadd.s32 s3, s2  }
0x8d: {  	s2 =	sadd.s32 s2, s14  }
0x8e: {  	[smem:$0x3FC2] =	sst s2  }
0x8f: {  	_ = 	snop  }
0x90: {  	s2 =	sld [smem:$0x3FD0];
	_ =	sdelay $0x2  }
0x91: {  	s4 =	simm.s32 $0xA;
	s5 =	simm.s32 $0x10;
	s15 =	sld [smem:$0x3FC8]  }
0x92: {  	[smem:s5], [sflag:s4] =	dma.local [hbm:s2], $0x1  }
0x93: {  	_ =	swait.eq [sflag:s4], $0x1  }
0x94: {  	[sflag:s4] =	ssyncset.done $0x0  }
0x95: {  	s16 =	sld [smem:$0x10];
	[sflag:s4] =	ssyncadd.s32 $0xFFFFFFFF  }
0x96: {  	s17 =	sld [smem:$0x11];
	(tm) =	ssettm $0x1  }
0x97: {  	s18 =	sld [smem:$0x3FFB];
	_ =	sdelay $0x3  }
0x98: {  	_ =	strace s18  }
0x99: {  	s5 =	sld [smem:$0x3FFC];
	_ =	sdelay $0x3  }
0x9a: {  	_ =	strace s5  }
0x9b: {  	s5 =	sld [smem:$0x3FFD];
	_ =	sdelay $0x3  }
0x9c: {  	_ =	strace s5  }
0x9d: {  	_ =	strace $0x8FFFFFFF  }
0x9e: {  	s19 =	sld [smem:$0x3FDB];
	_ =	sdelay $0x1  }
0x9f: {  	s6 =	simm.s32 $_scs_section_size  }
0xa0: {  	s7 =	simm.s32 $_size__tile_overlayer_lowered;
	s8 =	simm.s32 $_tile_overlayer_lowered  }
0xa1: {  	s22 =	simm.s32 $0x1BFF;
	s21 =	sshll.u32 s8, $0x1;
	s5 =	sadd.s32 s6, s19  }
0xa2: {  	s9 =	simm.s32 $0x0;
	s20 =	sshll.u32 s7, $0x1;
	s7 =	sadd.s32 s21, s5  }
0xa3: {  	[timem:s9], [sflag:s22] =	dma.local [hbm:s7], s20  }
0xa4: {  	_ =	swait.ge [sflag:s22], s20  }
0xa5: {  	s6 =	ssub.s32 $0x0, s20;
	[sflag:s22] =	ssyncset.done $0x0  }
0xa6: {  	[sflag:s22] =	ssyncadd.s32 s6;
	_ =	sdelay $0x1  }
0xa7: {  	s23 =	simm.s32 $0x1B8B  }
0xa8: {  	_ =	swait.ge [sflag:s23], $0x1  }
0xa9: {  	[sflag:s23] =	ssyncset.done $0x0  }
0xaa: {  	s25 =	simm.s32 $0x1B8E;
	s24 =	sld [smem:$0x3FFE];
	[sflag:s23] =	ssyncadd.s32 $0xFFFFFFFF  }
0xab: {  	s26 =	simm.s32 $execute0_lowered;
	[smem:$0x3FD2] =	sst s25  }
0xac: {  	s7 =	sshll.u32 s26, $0x1;
	_ =	strace $0x80000046;
	[dreg:$0x1] =	wrdreg $0xFFFFFFFF  }
0xad: {  	s28 =	simm.s32 $_size_execute0_lowered;
	s5 =	sadd.s32 s5, s7;
	[dreg:$0x0] =	wrdreg $0x0  }
0xae: {  	s7 =	sshll.u32 s28, $0x1;
	[dreg:$0x2] =	wrdreg s5  }
0xaf: {  	[dreg:$0x3] =	wrdreg s7  }
0xb0: {  	[dreg:$0x4] =	wrdreg $0xC0  }
0xb1: {  	_ =	task [dreg:s9], $0x5FFFF  }
0xb2: {  	[dreg:$0x1] =	wrdreg $0xFFFFFFFF  }
0xb3: {  	[dreg:$0x0] =	wrdreg $0x60  }
0xb4: {  	[dreg:$0x2] =	wrdreg s17  }
0xb5: {  	[dreg:$0x3] =	wrdreg s15  }
0xb6: {  	[dreg:$0x4] =	wrdreg s16  }
0xb7: {  	[dreg:$0x5] =	wrdreg s24  }
0xb8: {  	[dreg:$0x6] =	wrdreg $0x51800  }
0xb9: {  	[dreg:$0x7] =	wrdreg $0x9  }
0xba: {  	_ =	task.clear_ibuf [dreg:s9], $0x8FFFF;
	_ =	strace $0x90000046  }
0xbb: {  	s29 =	simm.s32 $0x9;
	_ =	strace $0x80000048  }
0xbc: {  	_ =	swait.ge [sflag:s29], $0x1  }
0xbd: {  	[sflag:s29] =	ssyncadd.s32 $0xFFFFFFFF  }
0xbe: {  	_ =	strace $0x90000048  }
0xbf: {  	_ =	sfence  }
0xc0: {  	s30 =	sld [smem:$0x0];
	_ =	sdelay $0x2  }
0xc1: {  	s31 =	sshll.u32 s1, $0xD;
	s1 =	sshrl.u32 s1, $0x2  }
0xc2: {  	s3 =	sand.u32 $0x4000, s31;
	s1 =	sadd.s32 s1, s30  }
0xc3: {  	s0 =	sor.u32 s3, s0;
	s1 =	sshll.u32 s1, $0x11  }
0xc4: {  	s0 =	sor.u32 s1, s0  }
0xc5: {  	s0 =	sadd.s32 $0x8F2B, s0  }
0xc6: {  	[sflag:s0] =	ssyncadd.remote.s32 $0x1  }
0xc7: {  	_ =	sfence.sel $0xFFFF  }
0xc8: {  	[dreg:$0x0] =	wrdreg $0xFFFFFFFF;
	(pc) =	sbr.abs _section_cstart, $3  }
0xc9: {  	[dreg:$0x1] =	wrdreg $0xFFFFFFFF  }
0xca: {  	_ =	task.clear_ibuf [dreg:s9], $0x2FFFF;
	_ =	strace $0x9FFFFFFF  }
0xcb: {  	(tm) =	ssettm $0x7FFFFFFF  }
tec
execute0_lowered:
.L_overlay_start_1:
0x0: {  	(tag) =	ssettag $0x1  }
0x1: {  	s5 =	rddreg [dreg:$0x0]  }
0x2: {  	s6 =	rddreg [dreg:$0x1]  }
0x3: {  	s1 =	rddreg [dreg:$0x2]  }
0x4: {  	s7 =	rddreg [dreg:$0x3]  }
0x5: {  	s2 =	rddreg [dreg:$0x4]  }
0x6: {  	s0 =	rddreg [dreg:$0x5]  }
0x7: {  	s4 =	simm.s32 $0x0;
	s8 =	srdreg.scid;
	s3 =	stileid.u32  }
0x8: {  	s13 =	simm.s32 $0x180;
	s14 =	simm.s32 $0x1;
	s15 =	simm.s32 $0x4180  }
0x9: {  	s16 =	simm.s32 $0x100;
	s17 =	simm.s32 $0x0;
	[smem:$0x7FF] =	sst s4  }
0xa: {  	s8 =	sand.u32 $0x1, s8;
	s9 =	sshll.u32 s3, $0xB;
	s11 =	sshll.u32 s3, $0x9  }
0xb: {  	s30 =	sshll.u32 s3, $0x4;
	s31 =	sshll.u32 s3, $0xC;
	_ =	strace $0x80000047  }
.Ltmp0:
0xc: {  	s10 =	ssub.s32 $0x2, s8;
	s9 =	sadd.s32 s9, s7;
	(pc) =	sbr.rel .LBB2_1-.Ltmp0, $4  }
0xd: {  	s11 =	sadd.s32 s11, s7;
	p0 =	seq.s32 s8, $0x1;
	s5 =	sadd.s32 s5, s30  }
0xe: {  	s6 =	sadd.s32 s6, s30;
	s7 =	sadd.s32 s31, s2;
	s12 =	sshrl.u32 s10, $0x1  }
0xf: {  	s8 =	sadd.s32 $0x9E00, s11;
	s9 =	sadd.s32 $0x1E00, s9;
	s10 =	ssub.s32 s10, s12  }
0x10: {  	v0 =	vimm.f32 $1.000000000e+00;
	v1 =	vimm.f32 $0.0e+00;
	s11 =	simm.s32 $0x2;
	s12 =	simm.s32 $0x80;
	s10 =	smax.u32 s10, $0x1  }
.LBB2_2:
0x11: {  	[tilespmem:s13], [sflag:$0x1] =	stream.indirect.gather [hbm4b:s1+s12], $0x80, s4, s12, $0xb8;
	[tilespmem:$0x6180] =	vst v63  }
0x12: {  	_ =	swait.ge [sflag:s14], $0x4000  }
0x13: {  	[sflag:s14] =	ssyncset.done $0x0  }
0x14: {  	[sflag:s14] =	ssyncadd.s32 $0xFFFFC000  }
0x15: {  	[hbm4b:s9+s4] =	stream.linear.scatter [tilespmem:s13], [sflag:$0x2], $0x4000, $0x38;
	[tilespmem:$0x6180] =	vst v63  }
0x16: {  	_ =	swait.ge [sflag:s11], $0x4000  }
0x17: {  	[sflag:s11] =	ssyncset.done $0x0  }
0x18: {  	[sflag:s11] =	ssyncadd.s32 $0xFFFFC000  }
.LBB2_6:
0x19: {  	s17 =	sadd.s32 $0x1, s17  }
0x1a: {  	p1 =	sne.s32 s17, s10  }
.Ltmp1:
0x1b: {  	_ = 	snop;
	(pc) =	sbr.rel @!p1 .LBB2_7-.Ltmp1, $1  }
0x1c: {  	_ =	sdelay $0x3  }
.LBB2_1:
.Ltmp2:
0x1d: {  	(pc) =	sbr.rel @p0 .LBB2_2-.Ltmp2, $4  }
0x1e: {  	[tilespmem:s4], [sflag:$0x2] =	stream.linear.gather [hbm4b:s5+s4], $0x80, $0x38;
	[tilespmem:$0x6180] =	vst v63  }
0x1f: {  	_ =	swait.ge [sflag:s11], $0x80  }
0x20: {  	[sflag:s11] =	ssyncset.done $0x0  }
0x21: {  	[sflag:s11] =	ssyncadd.s32 $0xFFFFFF80  }
0x22: {  	s18 =	simm.s32 $0x0  }
0x23: {  	[tilespmem:s12], [sflag:$0x2] =	stream.linear.gather [hbm4b:s6+s18], $0x80, $0x38;
	[tilespmem:$0x6180] =	vst v63  }
0x24: {  	_ =	swait.ge [sflag:s11], $0x80  }
0x25: {  	[sflag:s11] =	ssyncset.done $0x0  }
0x26: {  	[sflag:s11] =	ssyncadd.s32 $0xFFFFFF80  }
0x27: {  	v2 =	vld [tilespmem:$0x0]  }
0x28: {  	v3 =	vld [tilespmem:$0x80]  }
0x29: {  	v4 =	vld [tilespmem:$0x10]  }
0x2a: {  	v5 =	vld [tilespmem:$0x90]  }
0x2b: {  	v6 =	vld [tilespmem:$0x20]  }
0x2c: {  	v7 =	vld [tilespmem:$0xA0]  }
0x2d: {  	v8 =	vld [tilespmem:$0x30]  }
0x2e: {  	v9 =	vld [tilespmem:$0xB0]  }
0x2f: {  	v10 =	vld [tilespmem:$0x40]  }
0x30: {  	v11 =	vld [tilespmem:$0xC0]  }
0x31: {  	v12 =	vld [tilespmem:$0x50];
	[tilespmem:$0x100] =	vst v0;
	v2 =	vshll.u32 v2, $0x7  }
0x32: {  	v61 =	vld [tilespmem:$0xD0];
	[tilespmem:$0x110] =	vst v0;
	v2 =	vadd.s32 v3, v2;
	v3 =	vshll.u32 v4, $0x7  }
0x33: {  	v62 =	vld [tilespmem:$0x60];
	[tilespmem:$0x80] =	vst v2;
	v2 =	vadd.s32 v5, v3;
	v3 =	vshll.u32 v6, $0x7  }
0x34: {  	v63 =	vld [tilespmem:$0xE0];
	[tilespmem:$0x90] =	vst v2;
	v2 =	vadd.s32 v7, v3;
	v3 =	vshll.u32 v8, $0x7  }
0x35: {  	[tilespmem:$0xA0] =	vst v2;
	v2 =	vadd.s32 v9, v3;
	v3 =	vshll.u32 v10, $0x7  }
0x36: {  	[tilespmem:$0xB0] =	vst v2;
	v2 =	vadd.s32 v11, v3;
	v3 =	vshll.u32 v12, $0x7  }
0x37: {  	[tilespmem:$0xC0] =	vst v2;
	v2 =	vadd.s32 v61, v3  }
0x38: {  	[tilespmem:$0xD0] =	vst v2;
	v2 =	vshll.u32 v62, $0x7  }
0x39: {  	[tilespmem:$0x120] =	vst v0;
	v3 =	vld [tilespmem:$0x70];
	v2 =	vadd.s32 v63, v2  }
0x3a: {  	[tilespmem:$0xE0] =	vst v2;
	v2 =	vld [tilespmem:$0xF0]  }
0x3b: {  	[tilespmem:$0x130] =	vst v0  }
0x3c: {  	[tilespmem:$0x140] =	vst v0  }
0x3d: {  	[tilespmem:$0x150] =	vst v0  }
0x3e: {  	[tilespmem:$0x160] =	vst v0;
	v3 =	vshll.u32 v3, $0x7  }
0x3f: {  	[tilespmem:$0x170] =	vst v0;
	v2 =	vadd.s32 v2, v3  }
0x40: {  	s19 =	simm.s32 $0x0;
	s18 =	simm.s32 $0x40;
	[tilespmem:$0xF0] =	vst v2  }
.LBB2_4:
0x41: {  	p1 =	sne.s32 s18, $0x3FC0;
	[tilespmem:s19+$0x4180] =	vst v1;
	s19 =	smov.u32 s18;
	s18 =	sadd.s32 $0x40, s18  }
.Ltmp3:
0x42: {  	(pc) =	sbr.rel @p1 .LBB2_4-.Ltmp3, $2  }
0x43: {  	_ =	sdelay $0x2  }
0x44: {  	s19 =	sshra.s32 s19, $0x2  }
0x45: {  	[tilespmem:s19+$0x4180] =	vst v1  }
0x46: {  	[spmem:s7] =	stream.linear.scatter [tilespmem:s15], [sflag:$0x2], $0x1000, $0x38;
	[tilespmem:$0x6180] =	vst v63  }
0x47: {  	_ =	swait.ge [sflag:s11], $0x1000  }
0x48: {  	[sflag:s11] =	ssyncset.done $0x0  }
0x49: {  	[sflag:s11] =	ssyncadd.s32 $0xFFFFF000  }
0x4a: {  	[bflag:$0x0] =	sbarrier.arrive $0xFFFF  }
0x4b: {  	[spmem:s2] =	stream.indirect.scatter.add.f32 [tilespmem:s16], [sflag:$0x2], $0x1, s12, s12, $0xb8;
	[tilespmem:$0x6180] =	vst v63  }
0x4c: {  	_ =	swait.ge [sflag:s11], $0x80  }
0x4d: {  	[sflag:s11] =	ssyncset.done $0x0  }
0x4e: {  	[sflag:s11] =	ssyncadd.s32 $0xFFFFFF80  }
0x4f: {  	[bflag:$0x0] =	sbarrier.arrive $0xFFFF  }
0x50: {  	[tilespmem:s15], [sflag:$0x2] =	stream.linear.gather [spmem:s7], $0x1000, $0x38;
	[tilespmem:$0x6180] =	vst v63  }
0x51: {  	_ =	swait.ge [sflag:s11], $0x1000  }
0x52: {  	[sflag:s11] =	ssyncset.done $0x0  }
.Ltmp4:
0x53: {  	[sflag:s11] =	ssyncadd.s32 $0xFFFFF000;
	(pc) =	sbr.rel .LBB2_6-.Ltmp4, $4  }
0x54: {  	[hbm4b:s8+s4] =	stream.linear.scatter [tilespmem:s15], [sflag:$0x2], $0x1000, $0x38;
	[tilespmem:$0x6180] =	vst v63  }
0x55: {  	_ =	swait.ge [sflag:s11], $0x1000  }
0x56: {  	[sflag:s11] =	ssyncset.done $0x0  }
0x57: {  	[sflag:s11] =	ssyncadd.s32 $0xFFFFF000  }
.LBB2_7:
0x58: {  	_ =	sfence.sel $0x180000  }
0x59: {  	[bflag:$0x0] =	sbarrier.arrive $0xFFFF  }
0x5a: {  	p0 =	sne.s32 s3, $0x0;
	_ =	strace $0x90000047  }
0x5b: {  	s0 =	sadd.s32 @!p0 $0x100000, s0;
	[bflag:$0x2] =	sbarrier.arrive $0xFFFF  }
0x5c: {  	[sflag:s0] =	ssyncadd.tile.s32 @!p0 $0x1;
	_ =	shalt  }
.Lfunc_end2:
_tile_overlayer_lowered:
.L_overlay_start_2:
0x5d: {  	(tag) =	ssettag $0x2  }
0x5e: {  	s0 =	rddreg [dreg:$0x0];
	s2 =	stileid.u32  }
0x5f: {  	s1 =	rddreg [dreg:$0x1];
	p0 =	sne.s32 s2, $0x0  }
0x60: {  	s3 =	rddreg [dreg:$0x2];
	[bflag:$0x3] =	sbarrier.arrive $0xFFFF;
	s2 =	simm.s32 @!p0 $0x1C02  }
0x61: {  	[timem:s3], [sflag:s2] =	dma.local @!p0 [hbm:s0], s1  }
0x62: {  	s0 =	simm.s32 @!p0 $0x2  }
0x63: {  	_ =	swait.ge @!p0 [sflag:s0], s1  }
0x64: {  	s1 =	ssub.s32 @!p0 $0x0, s1;
	[sflag:s0] =	ssyncset.done @!p0 $0x0  }
0x65: {  	[sflag:s0] =	ssyncadd.s32 @!p0 s1  }
0x66: {  	[bflag:$0x3] =	sbarrier.arrive $0xFFFF  }
0x67: {  	_ =	shalt  }

</sc_bundles>
